<compile_context>
chip_gen: v7x
topology: tpu7x:2x2x1
jax: 0.10.2.dev20260603
libtpu: 0.0.44.dev20260713+nightly
codegen_flags: <defaults>
</compile_context>

<pallas_src>
import functools

import jax
import jax.numpy as jnp
from jax import lax
from jax.experimental import pallas as pl
from jax.experimental.pallas import tpu as pltpu
from jax.experimental.pallas import tpu_sc as plsc

_LANES = 16
_DIM = 64
_CODES = 16
_UNROLL = 4

_mesh = plsc.VectorSubcoreMesh(
    core_axis_name="c", subcore_axis_name="s", num_cores=1, num_subcores=1
)


@functools.partial(
    pl.kernel,
    out_type=(
        jax.ShapeDtypeStruct((1, _CODES), jnp.float32),
        jax.ShapeDtypeStruct((1, 1, _DIM), jnp.float32),
    ),
    mesh=_mesh,
    compiler_params=pltpu.CompilerParams(
        needs_layout_passes=False,
        disable_bounds_checks=True,
        use_tc_tiling_on_sc=False,
    ),
    scratch_types=[
        pltpu.VMEM((_CODES + 1, _DIM), jnp.float32),
        pltpu.VMEM((1, _CODES), jnp.float32),
        pltpu.VMEM((1, 1, _DIM), jnp.float32),
        pltpu.SemaphoreType.DMA,
        pltpu.SemaphoreType.DMA,
    ],
)
def _vq_kernel(xin_hbm, onehot_hbm, resid_hbm, in_v, oh_v, r_v, sem_a, sem_b):
    @pl.when(lax.axis_index("s") == 0)
    def _():
        pltpu.async_copy(xin_hbm, in_v, sem_a).wait()
        lanes = lax.iota(jnp.int32, _LANES)
        zero = jnp.zeros((_LANES,), jnp.int32)
        code_rows = lanes + 1

        def dist_body(i, accs):
            base = i * _UNROLL
            out = []
            for k in range(_UNROLL):
                d_splat = jnp.broadcast_to(base + k, (_LANES,))
                col = plsc.load_gather(in_v, [code_rows, d_splat])
                xb = plsc.load_gather(in_v, [zero, d_splat])
                t = xb - col
                out.append(accs[k] + t * t)
            return tuple(out)

        z = jnp.zeros((_LANES,), jnp.float32)
        acc = lax.fori_loop(0, _DIM // _UNROLL, dist_body, (z, z, z, z))
        dist = (acc[0] + acc[1]) + (acc[2] + acc[3])
        m = jnp.min(dist)
        idx = plsc.all_reduce_ffs(dist == m)
        oh_v[0, :] = jnp.where(lanes == idx, 1.0, 0.0).astype(jnp.float32)
        out_a = pltpu.async_copy(oh_v, onehot_hbm, sem_a)
        for i in range(_DIM // _LANES):
            xi = in_v[0, pl.ds(_LANES * i, _LANES)]
            row = plsc.load_gather(in_v, [idx + 1, lanes + _LANES * i])
            r_v[0, 0, pl.ds(_LANES * i, _LANES)] = xi - row
        out_b = pltpu.async_copy(r_v, resid_hbm, sem_b)
        out_a.wait()
        out_b.wait()


def kernel(inputs, codebook):
    xin = jnp.concatenate(
        [jnp.reshape(inputs, (1, _DIM)), jnp.reshape(codebook, (_CODES, _DIM))],
        axis=0,
    )
    return _vq_kernel(xin)

# --- scband reference (transcript-rebuilt; emitter-appended) ---
"""Pipeline reference for scband-quantizer-block-82884278879020 (READ-ONLY COPY).

The authoritative reference and input builder live on the scoring server;
editing this copy changes nothing except your own understanding.
"""

import jax, jax.numpy as jnp
import numpy as np


def setup_inputs(seed: int = 0) -> dict:
    key = jax.random.key(seed)
    k1, k2 = jax.random.split(key)
    inputs = jax.random.normal(k1, (1, 64), dtype=jnp.float32)
    # codebook is a constructor argument: shape [1, 16, 64] (16 codes of dim 64,
    # with a leading broadcast dim, matching tf.gather(codebook, idx, axis=1)).
    codebook = jax.random.normal(k2, (1, 16, 64), dtype=jnp.float32)
    return {"inputs": inputs, "codebook": codebook}


def reference(inputs, codebook):
    # inputs -> [1, 64]
    x = jnp.reshape(inputs, (1, 64))
    # squared_difference with broadcasting: [1,64] vs [1,16,64] -> [1,16,64]
    diff = jnp.square(x[:, None, :] - codebook) if False else jnp.square(x - codebook)
    # reduce over last axis -> [1, 16]
    dist = jnp.sum(diff, axis=-1)
    # argmin over codes -> [1]
    closest_codebook_idx = jnp.argmin(dist, axis=-1)
    # gather along axis=1 -> [1, 1, 64]
    closest_codebook_vector = jnp.take(codebook, closest_codebook_idx, axis=1)
    closest_codebook_vector = jnp.reshape(closest_codebook_vector, (1, 1, 64))
    # residual broadcasts [1,64] - [1,1,64] -> [1,1,64]
    residual = x - closest_codebook_vector
    idx = jax.nn.one_hot(closest_codebook_idx, 16, dtype=jnp.float32)
    return (idx, residual)

if __name__ == "__main__":
    import jax
    _d = setup_inputs()
    print(jax.jit(kernel)(*tuple(_d.values())))

</pallas_src>

<mosaic_0001>
#map = affine_map<(d0, d1) -> (0, 0)>
#map1 = affine_map<(d0, d1) -> (0, 0, 0)>
module attributes {stable_mosaic.version = 14 : i64} {
  func.func @_vq_kernel(%arg0: i32, %arg1: i32, %arg2: memref<17x64xf32, #tpu.memory_space<hbm>>, %arg3: memref<1x16xf32, #tpu.memory_space<hbm>>, %arg4: memref<1x1x64xf32, #tpu.memory_space<hbm>>, %arg5: memref<17x64xf32, #tpu.memory_space<vmem>>, %arg6: memref<1x16xf32, #tpu.memory_space<vmem>>, %arg7: memref<1x1x64xf32, #tpu.memory_space<vmem>>, %arg8: memref<!tpu.dma_semaphore, #tpu.memory_space<semaphore_mem>>, %arg9: memref<!tpu.dma_semaphore, #tpu.memory_space<semaphore_mem>>) attributes {dimension_semantics = [#tpu.dimension_semantics<core_parallel>, #tpu.dimension_semantics<subcore_parallel>], iteration_bounds = array<i64: 1, 1>, scalar_prefetch = 0 : i64, scratch_operands = 5 : i64, tpu.core_type = #tpu.core_type<sc_vector_subcore>, window_params = [{transform_indices = #map}, {transform_indices = #map}, {transform_indices = #map1}]} {
    %eq3A = arith.constant 0 : i32
    %eq3A_0 = arith.cmpi eq, %arg1, %eq3A : i32
    %convert_element_type3A = arith.extui %eq3A_0 : i1 to i32
    %cond3A = arith.constant 0 : i32
    %cond3A_1 = arith.cmpi ne, %convert_element_type3A, %cond3A : i32
    scf.if %cond3A_1 {
      tpu.enqueue_dma source(%arg2 : memref<17x64xf32, #tpu.memory_space<hbm>>) target(%arg5 : memref<17x64xf32, #tpu.memory_space<vmem>>) target_semaphore(%arg8 : memref<!tpu.dma_semaphore, #tpu.memory_space<semaphore_mem>>)
      tpu.wait_dma2 semaphore(%arg8 : memref<!tpu.dma_semaphore, #tpu.memory_space<semaphore_mem>>) src(%arg2 : memref<17x64xf32, #tpu.memory_space<hbm>>) dst(%arg5 : memref<17x64xf32, #tpu.memory_space<vmem>>)
      %iota3A = tpu.iota {dimensions = array<i32: 0>} : vector<16xi32>
      %broadcast_in_dim3A = arith.constant 0 : i32
      %broadcast_in_dim3A_2 = vector.broadcast %broadcast_in_dim3A : i32 to vector<16xi32>
      %add3A = arith.constant 1 : i32
      %add3A_3 = vector.broadcast %add3A : i32 to vector<16xi32>
      %add3A_4 = arith.addi %iota3A, %add3A_3 : vector<16xi32>
      %broadcast_in_dim3A_5 = arith.constant 0.000000e+00 : f32
      %broadcast_in_dim3A_6 = vector.broadcast %broadcast_in_dim3A_5 : f32 to vector<16xf32>
      %scan3A = arith.constant 0 : i32
      %scan3A_7 = arith.constant 16 : i32
      %scan3A_8 = arith.addi %scan3A, %scan3A_7 : i32
      %scan3A_9 = arith.constant 1 : i32
      %scan3A_10:4 = scf.for %scan3A_96 = %scan3A to %scan3A_8 step %scan3A_9 iter_args(%scan3A_97 = %broadcast_in_dim3A_6, %scan3A_98 = %broadcast_in_dim3A_6, %scan3A_99 = %broadcast_in_dim3A_6, %scan3A_100 = %broadcast_in_dim3A_6) -> (vector<16xf32>, vector<16xf32>, vector<16xf32>, vector<16xf32>)  : i32 {
        %mul3A = arith.constant 4 : i32
        %mul3A_101 = arith.muli %scan3A_96, %mul3A : i32
        %add3A_102 = arith.constant 0 : i32
        %add3A_103 = arith.addi %mul3A_101, %add3A_102 : i32
        %broadcast_in_dim3A_104 = vector.broadcast %add3A_103 : i32 to vector<16xi32>
        %gather3A_105 = tpu.vector_load_idx %arg5[%add3A_4, %broadcast_in_dim3A_104] : memref<17x64xf32, #tpu.memory_space<vmem>>[vector<16xi32>, vector<16xi32>], vector<16xf32>,
        %gather3A_106 = tpu.vector_load_idx %arg5[%broadcast_in_dim3A_2, %broadcast_in_dim3A_104] : memref<17x64xf32, #tpu.memory_space<vmem>>[vector<16xi32>, vector<16xi32>], vector<16xf32>,
        %sub3A_107 = arith.subf %gather3A_106, %gather3A_105 : vector<16xf32>
        %mul3A_108 = arith.mulf %sub3A_107, %sub3A_107 : vector<16xf32>
        %add3A_109 = arith.addf %scan3A_97, %mul3A_108 : vector<16xf32>
        %add3A_110 = arith.constant 1 : i32
        %add3A_111 = arith.addi %mul3A_101, %add3A_110 : i32
        %broadcast_in_dim3A_112 = vector.broadcast %add3A_111 : i32 to vector<16xi32>
        %gather3A_113 = tpu.vector_load_idx %arg5[%add3A_4, %broadcast_in_dim3A_112] : memref<17x64xf32, #tpu.memory_space<vmem>>[vector<16xi32>, vector<16xi32>], vector<16xf32>,
        %gather3A_114 = tpu.vector_load_idx %arg5[%broadcast_in_dim3A_2, %broadcast_in_dim3A_112] : memref<17x64xf32, #tpu.memory_space<vmem>>[vector<16xi32>, vector<16xi32>], vector<16xf32>,
        %sub3A_115 = arith.subf %gather3A_114, %gather3A_113 : vector<16xf32>
        %mul3A_116 = arith.mulf %sub3A_115, %sub3A_115 : vector<16xf32>
        %add3A_117 = arith.addf %scan3A_98, %mul3A_116 : vector<16xf32>
        %add3A_118 = arith.constant 2 : i32
        %add3A_119 = arith.addi %mul3A_101, %add3A_118 : i32
        %broadcast_in_dim3A_120 = vector.broadcast %add3A_119 : i32 to vector<16xi32>
        %gather3A_121 = tpu.vector_load_idx %arg5[%add3A_4, %broadcast_in_dim3A_120] : memref<17x64xf32, #tpu.memory_space<vmem>>[vector<16xi32>, vector<16xi32>], vector<16xf32>,
        %gather3A_122 = tpu.vector_load_idx %arg5[%broadcast_in_dim3A_2, %broadcast_in_dim3A_120] : memref<17x64xf32, #tpu.memory_space<vmem>>[vector<16xi32>, vector<16xi32>], vector<16xf32>,
        %sub3A_123 = arith.subf %gather3A_122, %gather3A_121 : vector<16xf32>
        %mul3A_124 = arith.mulf %sub3A_123, %sub3A_123 : vector<16xf32>
        %add3A_125 = arith.addf %scan3A_99, %mul3A_124 : vector<16xf32>
        %add3A_126 = arith.constant 3 : i32
        %add3A_127 = arith.addi %mul3A_101, %add3A_126 : i32
        %broadcast_in_dim3A_128 = vector.broadcast %add3A_127 : i32 to vector<16xi32>
        %gather3A_129 = tpu.vector_load_idx %arg5[%add3A_4, %broadcast_in_dim3A_128] : memref<17x64xf32, #tpu.memory_space<vmem>>[vector<16xi32>, vector<16xi32>], vector<16xf32>,
        %gather3A_130 = tpu.vector_load_idx %arg5[%broadcast_in_dim3A_2, %broadcast_in_dim3A_128] : memref<17x64xf32, #tpu.memory_space<vmem>>[vector<16xi32>, vector<16xi32>], vector<16xf32>,
        %sub3A_131 = arith.subf %gather3A_130, %gather3A_129 : vector<16xf32>
        %mul3A_132 = arith.mulf %sub3A_131, %sub3A_131 : vector<16xf32>
        %add3A_133 = arith.addf %scan3A_100, %mul3A_132 : vector<16xf32>
        scf.yield %add3A_109, %add3A_117, %add3A_125, %add3A_133 : vector<16xf32>, vector<16xf32>, vector<16xf32>, vector<16xf32>
      }
      %scan3A_11 = arith.constant 16 : i32
      %add3A_12 = arith.addf %scan3A_10#0, %scan3A_10#1 : vector<16xf32>
      %add3A_13 = arith.addf %scan3A_10#2, %scan3A_10#3 : vector<16xf32>
      %add3A_14 = arith.addf %add3A_12, %add3A_13 : vector<16xf32>
      %reduce_min3A = arith.constant true
      %reduce_min3A_15 = vector.broadcast %reduce_min3A : i1 to vector<16xi1>
      %reduce_min3A_16 = tpu.scan <min>, %add3A_14 masked %reduce_min3A_15 : vector<16xf32>, vector<16xi1> -> vector<16xf32>
      %reduce_min3A_17 = vector.extract %reduce_min3A_16[15] : f32 from vector<16xf32>
      %eq3A_18 = vector.broadcast %reduce_min3A_17 : f32 to vector<16xf32>
      %eq3A_19 = arith.cmpf oeq, %add3A_14, %eq3A_18 : vector<16xf32>
      %all_reduce_ffs3A = tpu.all_reduce %eq3A_19 {dim = 0 : i64, kind = #tpu.reduction_kind<find_first_set>} : vector<16xi1> -> vector<16xi32>
      %eq3A_20 = arith.cmpi eq, %iota3A, %all_reduce_ffs3A : vector<16xi32>
      %jit3A = arith.constant 1.000000e+00 : f32
      %jit3A_21 = arith.constant 0.000000e+00 : f32
      %broadcast_in_dim3A_22 = vector.broadcast %jit3A : f32 to vector<16xf32>
      %broadcast_in_dim3A_23 = vector.broadcast %jit3A_21 : f32 to vector<16xf32>
      %select_n3A = arith.select %eq3A_20, %broadcast_in_dim3A_22, %broadcast_in_dim3A_23 : vector<16xi1>, vector<16xf32>
      %swap3A = arith.constant 0 : i32
      %swap3A_24 = arith.index_cast %swap3A : i32 to index
      %swap3A_25 = arith.constant 0 : index
      %swap3A_26 = tpu.vector_load %arg6[%swap3A_24, %swap3A_25] {strides = array<i32>} : memref<1x16xf32, #tpu.memory_space<vmem>>, vector<16xf32>,
      tpu.vector_store %arg6[%swap3A_24, %swap3A_25], %select_n3A {strides = array<i32>} : memref<1x16xf32, #tpu.memory_space<vmem>>, vector<16xf32>,
      tpu.enqueue_dma source(%arg6 : memref<1x16xf32, #tpu.memory_space<vmem>>) target(%arg3 : memref<1x16xf32, #tpu.memory_space<hbm>>) target_semaphore(%arg8 : memref<!tpu.dma_semaphore, #tpu.memory_space<semaphore_mem>>)
      %get3A = arith.constant 0 : i32
      %get3A_27 = arith.index_cast %get3A : i32 to index
      %get3A_28 = arith.constant 0 : index
      %get3A_29 = tpu.vector_load %arg5[%get3A_27, %get3A_28] {strides = array<i32>} : memref<17x64xf32, #tpu.memory_space<vmem>>, vector<16xf32>,
      %add3A_30 = arith.constant 1 : i32
      %add3A_31 = vector.broadcast %add3A_30 : i32 to vector<16xi32>
      %add3A_32 = arith.addi %all_reduce_ffs3A, %add3A_31 : vector<16xi32>
      %add3A_33 = arith.constant 0 : i32
      %add3A_34 = vector.broadcast %add3A_33 : i32 to vector<16xi32>
      %add3A_35 = arith.addi %iota3A, %add3A_34 : vector<16xi32>
      %gather3A = tpu.vector_load_idx %arg5[%add3A_32, %add3A_35] : memref<17x64xf32, #tpu.memory_space<vmem>>[vector<16xi32>, vector<16xi32>], vector<16xf32>,
      %sub3A = arith.subf %get3A_29, %gather3A : vector<16xf32>
      %swap3A_36 = arith.constant 0 : i32
      %swap3A_37 = arith.constant 0 : i32
      %swap3A_38 = arith.index_cast %swap3A_36 : i32 to index
      %swap3A_39 = arith.index_cast %swap3A_37 : i32 to index
      %swap3A_40 = arith.constant 0 : index
      %swap3A_41 = tpu.vector_load %arg7[%swap3A_38, %swap3A_39, %swap3A_40] {strides = array<i32>} : memref<1x1x64xf32, #tpu.memory_space<vmem>>, vector<16xf32>,
      tpu.vector_store %arg7[%swap3A_38, %swap3A_39, %swap3A_40], %sub3A {strides = array<i32>} : memref<1x1x64xf32, #tpu.memory_space<vmem>>, vector<16xf32>,
      %get3A_42 = arith.constant 0 : i32
      %get3A_43 = arith.index_cast %get3A_42 : i32 to index
      %get3A_44 = arith.constant 16 : index
      %get3A_45 = tpu.vector_load %arg5[%get3A_43, %get3A_44] {strides = array<i32>} : memref<17x64xf32, #tpu.memory_space<vmem>>, vector<16xf32>,
      %add3A_46 = arith.constant 1 : i32
      %add3A_47 = vector.broadcast %add3A_46 : i32 to vector<16xi32>
      %add3A_48 = arith.addi %all_reduce_ffs3A, %add3A_47 : vector<16xi32>
      %add3A_49 = arith.constant 16 : i32
      %add3A_50 = vector.broadcast %add3A_49 : i32 to vector<16xi32>
      %add3A_51 = arith.addi %iota3A, %add3A_50 : vector<16xi32>
      %gather3A_52 = tpu.vector_load_idx %arg5[%add3A_48, %add3A_51] : memref<17x64xf32, #tpu.memory_space<vmem>>[vector<16xi32>, vector<16xi32>], vector<16xf32>,
      %sub3A_53 = arith.subf %get3A_45, %gather3A_52 : vector<16xf32>
      %swap3A_54 = arith.constant 0 : i32
      %swap3A_55 = arith.constant 0 : i32
      %swap3A_56 = arith.index_cast %swap3A_54 : i32 to index
      %swap3A_57 = arith.index_cast %swap3A_55 : i32 to index
      %swap3A_58 = arith.constant 16 : index
      %swap3A_59 = tpu.vector_load %arg7[%swap3A_56, %swap3A_57, %swap3A_58] {strides = array<i32>} : memref<1x1x64xf32, #tpu.memory_space<vmem>>, vector<16xf32>,
      tpu.vector_store %arg7[%swap3A_56, %swap3A_57, %swap3A_58], %sub3A_53 {strides = array<i32>} : memref<1x1x64xf32, #tpu.memory_space<vmem>>, vector<16xf32>,
      %get3A_60 = arith.constant 0 : i32
      %get3A_61 = arith.index_cast %get3A_60 : i32 to index
      %get3A_62 = arith.constant 32 : index
      %get3A_63 = tpu.vector_load %arg5[%get3A_61, %get3A_62] {strides = array<i32>} : memref<17x64xf32, #tpu.memory_space<vmem>>, vector<16xf32>,
      %add3A_64 = arith.constant 1 : i32
      %add3A_65 = vector.broadcast %add3A_64 : i32 to vector<16xi32>
      %add3A_66 = arith.addi %all_reduce_ffs3A, %add3A_65 : vector<16xi32>
      %add3A_67 = arith.constant 32 : i32
      %add3A_68 = vector.broadcast %add3A_67 : i32 to vector<16xi32>
      %add3A_69 = arith.addi %iota3A, %add3A_68 : vector<16xi32>
      %gather3A_70 = tpu.vector_load_idx %arg5[%add3A_66, %add3A_69] : memref<17x64xf32, #tpu.memory_space<vmem>>[vector<16xi32>, vector<16xi32>], vector<16xf32>,
      %sub3A_71 = arith.subf %get3A_63, %gather3A_70 : vector<16xf32>
      %swap3A_72 = arith.constant 0 : i32
      %swap3A_73 = arith.constant 0 : i32
      %swap3A_74 = arith.index_cast %swap3A_72 : i32 to index
      %swap3A_75 = arith.index_cast %swap3A_73 : i32 to index
      %swap3A_76 = arith.constant 32 : index
      %swap3A_77 = tpu.vector_load %arg7[%swap3A_74, %swap3A_75, %swap3A_76] {strides = array<i32>} : memref<1x1x64xf32, #tpu.memory_space<vmem>>, vector<16xf32>,
      tpu.vector_store %arg7[%swap3A_74, %swap3A_75, %swap3A_76], %sub3A_71 {strides = array<i32>} : memref<1x1x64xf32, #tpu.memory_space<vmem>>, vector<16xf32>,
      %get3A_78 = arith.constant 0 : i32
      %get3A_79 = arith.index_cast %get3A_78 : i32 to index
      %get3A_80 = arith.constant 48 : index
      %get3A_81 = tpu.vector_load %arg5[%get3A_79, %get3A_80] {strides = array<i32>} : memref<17x64xf32, #tpu.memory_space<vmem>>, vector<16xf32>,
      %add3A_82 = arith.constant 1 : i32
      %add3A_83 = vector.broadcast %add3A_82 : i32 to vector<16xi32>
      %add3A_84 = arith.addi %all_reduce_ffs3A, %add3A_83 : vector<16xi32>
      %add3A_85 = arith.constant 48 : i32
      %add3A_86 = vector.broadcast %add3A_85 : i32 to vector<16xi32>
      %add3A_87 = arith.addi %iota3A, %add3A_86 : vector<16xi32>
      %gather3A_88 = tpu.vector_load_idx %arg5[%add3A_84, %add3A_87] : memref<17x64xf32, #tpu.memory_space<vmem>>[vector<16xi32>, vector<16xi32>], vector<16xf32>,
      %sub3A_89 = arith.subf %get3A_81, %gather3A_88 : vector<16xf32>
      %swap3A_90 = arith.constant 0 : i32
      %swap3A_91 = arith.constant 0 : i32
      %swap3A_92 = arith.index_cast %swap3A_90 : i32 to index
      %swap3A_93 = arith.index_cast %swap3A_91 : i32 to index
      %swap3A_94 = arith.constant 48 : index
      %swap3A_95 = tpu.vector_load %arg7[%swap3A_92, %swap3A_93, %swap3A_94] {strides = array<i32>} : memref<1x1x64xf32, #tpu.memory_space<vmem>>, vector<16xf32>,
      tpu.vector_store %arg7[%swap3A_92, %swap3A_93, %swap3A_94], %sub3A_89 {strides = array<i32>} : memref<1x1x64xf32, #tpu.memory_space<vmem>>, vector<16xf32>,
      tpu.enqueue_dma source(%arg7 : memref<1x1x64xf32, #tpu.memory_space<vmem>>) target(%arg4 : memref<1x1x64xf32, #tpu.memory_space<hbm>>) target_semaphore(%arg9 : memref<!tpu.dma_semaphore, #tpu.memory_space<semaphore_mem>>)
      tpu.wait_dma2 semaphore(%arg8 : memref<!tpu.dma_semaphore, #tpu.memory_space<semaphore_mem>>) src(%arg6 : memref<1x16xf32, #tpu.memory_space<vmem>>) dst(%arg3 : memref<1x16xf32, #tpu.memory_space<hbm>>)
      tpu.wait_dma2 semaphore(%arg9 : memref<!tpu.dma_semaphore, #tpu.memory_space<semaphore_mem>>) src(%arg7 : memref<1x1x64xf32, #tpu.memory_space<vmem>>) dst(%arg4 : memref<1x1x64xf32, #tpu.memory_space<hbm>>)
    } else {
    }
    return
  }
}

</mosaic_0001>

<sc_bundles>
// kernel: kernel.3.cloned.1.call-start
scs
__scs_entry_jumppad:
0x0: {  	(pc) =	sbr.rel $0x88, $3  }
0x1: {  	(tag) =	ssettag $0x0;
	lr =	simm.s32 $0x1  }
0x2: {  	[smem:$0x3F9F] =	sst lr;
	_ =	strace $0xD0000000  }
0x3: {  	_ = 	snop  }
0x4: {  	_ = 	snop  }
0x5: {  	_ = 	snop  }
0x6: {  	_ = 	snop  }
0x7: {  	_ = 	snop  }
__scs_overlays_trampoline_lowered:
0x8: {  	[smem:$0x3FAE] =	sst s0  }
0x9: {  	[smem:$0x3FAF] =	sst s1  }
0xa: {  	[smem:$0x3FB0] =	sst s2  }
0xb: {  	[smem:$0x3FB1] =	sst s3  }
0xc: {  	[smem:$0x3FB2] =	sst s4  }
0xd: {  	[smem:$0x3FB3] =	sst s5  }
0xe: {  	[smem:$0x3FB4] =	sst s6  }
0xf: {  	[smem:$0x3FB5] =	sst s7  }
0x10: {  	[smem:$0x3FB6] =	sst s8  }
0x11: {  	[smem:$0x3FB7] =	sst s9;
	s0 =	simm.s32 @!p0 $0x0  }
0x12: {  	s1 =	sld [smem:$0x3F9D];
	s0 =	simm.s32 @p0 $0x1  }
0x13: {  	[smem:$0x3FB8] =	sst s0;
	s0 =	simm.s32 @!p1 $0x0  }
0x14: {  	s2 =	sld [smem:$0x3F9C];
	s0 =	simm.s32 @p1 $0x1  }
0x15: {  	[smem:$0x3FB9] =	sst s0;
	s0 =	simm.s32 @!p2 $0x0  }
0x16: {  	s3 =	sld [smem:$0x3FDB];
	s0 =	simm.s32 @p2 $0x1  }
0x17: {  	s4 =	simm.s32 $0x1BF5;
	[smem:$0x3FBB] =	sst s0  }
0x18: {  	s0 =	sld [smem:$0x3F9E];
	_ =	swait.ge [sflag:s4], $0x0  }
0x19: {  	s7 =	sld [smem:$0x3F9F]  }
0x1a: {  	s8 =	sadd.s32 $0xFFFFE003, lr  }
0x1b: {  	s9 =	sadd.s32 $0xFFFFFEF7, lr;
	s5 =	simm.s32 $0xFFFFFFFF;
	p2 =	slt.u32 s8, $0xFFFFF086  }
0x1c: {  	p1 =	slt.u32 s9, $0xF7A;
	s5 =	simm.s32 @!p2 $0x0  }
0x1d: {  	s5 =	simm.s32 @p1 $0x1;
	p0 =	seq.s32 s7, s2  }
0x1e: {  	s7 =	smul.u32 @!p0 $0xF7A, s2;
	p2 =	seq.s32 @!p0 s5, $0x0  }
0x1f: {  	s9 =	smul.u32 $0xF7A, s1;
	s8 =	simm.s32 @!p0 $0x1BF5;
	p2 =	por !p2, p0  }
0x20: {  	[sflag:s8] =	ssyncset.s32 @!p0 $0xFFFFF086;
	s6 =	sadd.s32 @!p0 s3, s7;
	s7 =	simm.s32 @!p0 $0x108  }
0x21: {  	s3 =	sadd.s32 s3, s9;
	s6 =	sadd.s32 @!p0 $0x88, s6;
	s7 =	simm.s32 @p2 $0x1082  }
0x22: {  	[simem:s7], [sflag:s8] =	dma.local @!p0 [hbm:s6], $0xF7A  }
0x23: {  	s9 =	sor.u32 $0xD0000000, s2;
	s6 =	simm.s32 $0x108;
	_ =	swait.ge @!p0 [sflag:s8], $0x0  }
0x24: {  	s3 =	sadd.s32 $0x88, s3;
	s6 =	simm.s32 @!p1 $0x1082;
	[sflag:s4] =	ssyncset.s32 $0xFFFFF086  }
0x25: {  	[simem:s6], [sflag:s4] =	dma.local [hbm:s3], $0xF7A  }
0x26: {  	[smem:$0x3F9F] =	sst s1;
	(tag) =	ssettag s2;
	_ =	strace s9  }
0x27: {  	s1 =	sld [smem:$0x3FAF]  }
0x28: {  	s2 =	sld [smem:$0x3FB0]  }
0x29: {  	s4 =	sld [smem:$0x3FB2]  }
0x2a: {  	p0 =	seq.s32 s5, $0x0;
	s5 =	sld [smem:$0x3FB3]  }
0x2b: {  	s6 =	sld [smem:$0x3FB4]  }
0x2c: {  	s7 =	sld [smem:$0x3FB5]  }
0x2d: {  	s3 =	simm.s32 $0x108;
	s8 =	sld [smem:$0x3FB6]  }
0x2e: {  	s3 =	simm.s32 @!p0 $0x1082;
	s9 =	sld [smem:$0x3FB7]  }
0x2f: {  	lr =	sadd.s32 s0, s3;
	s0 =	sld [smem:$0x3FAE]  }
0x30: {  	s3 =	sld [smem:$0x3FB1]  }
0x31: {  	[smem:$0x3FBA] =	sst s10  }
0x32: {  	s10 =	sld [smem:$0x3FB8];
	_ =	sdelay $0x3  }
0x33: {  	p0 =	seq.s32 s10, $0x1;
	s10 =	sld [smem:$0x3FBA];
	_ =	sdelay $0x3  }
0x34: {  	[smem:$0x3FBA] =	sst s10  }
0x35: {  	s10 =	sld [smem:$0x3FB9];
	_ =	sdelay $0x3  }
0x36: {  	p1 =	seq.s32 s10, $0x1;
	s10 =	sld [smem:$0x3FBA];
	_ =	sdelay $0x3  }
0x37: {  	[smem:$0x3FBA] =	sst s10  }
0x38: {  	s10 =	sld [smem:$0x3FBB]  }
0x39: {  	_ = 	snop;
	(pc) =	sbr.ind lr, $3  }
0x3a: {  	_ = 	snop  }
0x3b: {  	_ = 	snop  }
0x3c: {  	p2 =	seq.s32 s10, $0x1;
	s10 =	sld [smem:$0x3FBA]  }
0x3d: {  	_ =	shalt  }
0x3e: {  	_ =	shalt  }
0x3f: {  	_ =	shalt  }
0x40: {  	_ =	shalt  }
0x41: {  	_ =	shalt  }
0x42: {  	_ =	shalt  }
0x43: {  	_ =	shalt  }
0x44: {  	_ =	shalt  }
0x45: {  	_ =	shalt  }
0x46: {  	_ =	shalt  }
0x47: {  	_ =	shalt  }
0x48: {  	_ =	shalt  }
0x49: {  	_ =	shalt  }
0x4a: {  	_ =	shalt  }
0x4b: {  	_ =	shalt  }
0x4c: {  	_ =	shalt  }
0x4d: {  	_ =	shalt  }
0x4e: {  	_ =	shalt  }
0x4f: {  	_ =	shalt  }
0x50: {  	_ =	shalt  }
0x51: {  	_ =	shalt  }
0x52: {  	_ =	shalt  }
0x53: {  	_ =	shalt  }
0x54: {  	_ =	shalt  }
0x55: {  	_ =	shalt  }
0x56: {  	_ =	shalt  }
0x57: {  	_ =	shalt  }
0x58: {  	_ =	shalt  }
0x59: {  	_ =	shalt  }
0x5a: {  	_ =	shalt  }
0x5b: {  	_ =	shalt  }
0x5c: {  	_ =	shalt  }
0x5d: {  	_ =	shalt  }
0x5e: {  	_ =	shalt  }
0x5f: {  	_ =	shalt  }
0x60: {  	_ =	shalt  }
0x61: {  	_ =	shalt  }
0x62: {  	_ =	shalt  }
0x63: {  	_ =	shalt  }
0x64: {  	_ =	shalt  }
0x65: {  	_ =	shalt  }
0x66: {  	_ =	shalt  }
0x67: {  	_ =	shalt  }
0x68: {  	_ =	shalt  }
0x69: {  	_ =	shalt  }
0x6a: {  	_ =	shalt  }
0x6b: {  	_ =	shalt  }
0x6c: {  	_ =	shalt  }
0x6d: {  	_ =	shalt  }
0x6e: {  	_ =	shalt  }
0x6f: {  	_ =	shalt  }
0x70: {  	_ =	shalt  }
0x71: {  	_ =	shalt  }
0x72: {  	_ =	shalt  }
0x73: {  	_ =	shalt  }
0x74: {  	_ =	shalt  }
0x75: {  	_ =	shalt  }
0x76: {  	_ =	shalt  }
0x77: {  	_ =	shalt  }
0x78: {  	_ =	shalt  }
0x79: {  	_ =	shalt  }
0x7a: {  	_ =	shalt  }
0x7b: {  	_ =	shalt  }
0x7c: {  	_ =	shalt  }
0x7d: {  	_ =	shalt  }
0x7e: {  	_ =	shalt  }
0x7f: {  	_ =	shalt  }
0x80: {  	_ =	shalt  }
0x81: {  	_ =	shalt  }
0x82: {  	_ =	shalt  }
0x83: {  	_ =	shalt  }
0x84: {  	_ =	shalt  }
0x85: {  	_ =	shalt  }
0x86: {  	_ =	shalt  }
0x87: {  	_ =	shalt  }
.Lfunc_end0:
.L_simem_size_0:
called_computation_lowered:
.L_overlay_start_0:
0x88: {  	s0 =	sld [smem:$0x3FD9]  }
0x89: {  	s1 =	sld [smem:$0x3FFE];
	_ =	sdelay $0x3  }
0x8a: {  	s0 =	sadd.s32 s1, s0  }
0x8b: {  	[smem:$0x3FC6] =	sst s0  }
0x8c: {  	_ = 	snop  }
0x8d: {  	s0 =	sld [smem:$0x3FD0];
	_ =	sdelay $0x2  }
0x8e: {  	s13 =	simm.s32 $0xA;
	s2 =	simm.s32 $0x10  }
0x8f: {  	[smem:s2], [sflag:s13] =	dma.local [hbm:s0], $0x1  }
0x90: {  	_ =	swait.eq [sflag:s13], $0x1  }
0x91: {  	[sflag:s13] =	ssyncset.done $0x0  }
0x92: {  	s14 =	sld [smem:$0x10];
	[sflag:s13] =	ssyncadd.s32 $0xFFFFFFFF  }
0x93: {  	s15 =	sld [smem:$0x11];
	(tm) =	ssettm $0x1  }
0x94: {  	s16 =	sld [smem:$0x3FFB];
	_ =	sdelay $0x3  }
0x95: {  	_ =	strace s16  }
0x96: {  	s2 =	sld [smem:$0x3FFC];
	_ =	sdelay $0x3  }
0x97: {  	_ =	strace s2  }
0x98: {  	s2 =	sld [smem:$0x3FFD];
	_ =	sdelay $0x3  }
0x99: {  	_ =	strace s2  }
0x9a: {  	_ =	strace $0x8FFFFFFF  }
0x9b: {  	s17 =	sld [smem:$0x3FDB];
	_ =	sdelay $0x1  }
0x9c: {  	s3 =	simm.s32 $_scs_section_size  }
0x9d: {  	s4 =	simm.s32 $_size__tile_overlayer_lowered;
	s5 =	simm.s32 $_tile_overlayer_lowered  }
0x9e: {  	s20 =	simm.s32 $0x1BFF;
	s19 =	sshll.u32 s5, $0x1;
	s2 =	sadd.s32 s3, s17  }
0x9f: {  	s6 =	simm.s32 $0x0;
	s18 =	sshll.u32 s4, $0x1;
	s4 =	sadd.s32 s19, s2  }
0xa0: {  	[timem:s6], [sflag:s20] =	dma.local [hbm:s4], s18  }
0xa1: {  	_ =	swait.ge [sflag:s20], s18  }
0xa2: {  	s3 =	ssub.s32 $0x0, s18;
	[sflag:s20] =	ssyncset.done $0x0  }
0xa3: {  	[sflag:s20] =	ssyncadd.s32 s3;
	_ =	sdelay $0x1  }
0xa4: {  	s21 =	simm.s32 $0x1B8B  }
0xa5: {  	_ =	swait.ge [sflag:s21], $0x1  }
0xa6: {  	[sflag:s21] =	ssyncset.done $0x0  }
0xa7: {  	s23 =	simm.s32 $0x1B8E;
	s22 =	sld [smem:$0x3FFE];
	[sflag:s21] =	ssyncadd.s32 $0xFFFFFFFF  }
0xa8: {  	s24 =	simm.s32 $execute0_lowered;
	[smem:$0x3FD2] =	sst s23  }
0xa9: {  	s4 =	sshll.u32 s24, $0x1;
	_ =	strace $0x80000046;
	[dreg:$0x1] =	wrdreg $0xFFFFFFFF  }
0xaa: {  	s25 =	simm.s32 $_size_execute0_lowered;
	s2 =	sadd.s32 s2, s4;
	[dreg:$0x0] =	wrdreg $0x0  }
0xab: {  	s4 =	sshll.u32 s25, $0x1;
	[dreg:$0x2] =	wrdreg s2  }
0xac: {  	[dreg:$0x3] =	wrdreg s4  }
0xad: {  	[dreg:$0x4] =	wrdreg $0xC0  }
0xae: {  	_ =	task [dreg:s6], $0x5FFFF  }
0xaf: {  	[dreg:$0x1] =	wrdreg $0xFFFFFFFF  }
0xb0: {  	[dreg:$0x0] =	wrdreg $0x60  }
0xb1: {  	[dreg:$0x2] =	wrdreg s22  }
0xb2: {  	[dreg:$0x3] =	wrdreg s14  }
0xb3: {  	[dreg:$0x4] =	wrdreg s15  }
0xb4: {  	[dreg:$0x5] =	wrdreg $0x9  }
0xb5: {  	_ =	task.clear_ibuf [dreg:s6], $0x6FFFF;
	_ =	strace $0x90000046  }
0xb6: {  	s26 =	simm.s32 $0x9;
	_ =	strace $0x80000048  }
0xb7: {  	_ =	swait.ge [sflag:s26], $0x1  }
0xb8: {  	[sflag:s26] =	ssyncadd.s32 $0xFFFFFFFF  }
0xb9: {  	_ =	strace $0x90000048  }
0xba: {  	_ =	sfence  }
0xbb: {  	s28 =	sld [smem:$0x0];
	_ =	sdelay $0x1  }
0xbc: {  	s29 =	srdreg.scid  }
0xbd: {  	s30 =	sshll.u32 s29, $0xD;
	s31 =	sshrl.u32 s29, $0x2  }
0xbe: {  	s1 =	sand.u32 $0x1, s29;
	s2 =	sand.u32 $0x4000, s30;
	s0 =	sadd.s32 s31, s28  }
0xbf: {  	s1 =	sor.u32 s2, s1;
	s0 =	sshll.u32 s0, $0x11  }
0xc0: {  	s0 =	sor.u32 s0, s1  }
0xc1: {  	s0 =	sadd.s32 $0x8F2B, s0  }
0xc2: {  	[sflag:s0] =	ssyncadd.remote.s32 $0x1  }
0xc3: {  	_ =	sfence.sel $0xFFFF  }
0xc4: {  	[dreg:$0x0] =	wrdreg $0xFFFFFFFF;
	(pc) =	sbr.abs _section_cstart, $3  }
0xc5: {  	[dreg:$0x1] =	wrdreg $0xFFFFFFFF  }
0xc6: {  	_ =	task.clear_ibuf [dreg:s6], $0x2FFFF;
	_ =	strace $0x9FFFFFFF  }
0xc7: {  	(tm) =	ssettm $0x7FFFFFFF  }
tec
execute0_lowered:
.L_overlay_start_1:
0x0: {  	(tag) =	ssettag $0x1  }
0x1: {  	s4 =	stileid.u32  }
0x2: {  	p0 =	sne.s32 s4, $0x0  }
.Ltmp0:
0x3: {  	_ = 	snop;
	(pc) =	sbr.rel @p0 .LBB2_4-.Ltmp0, $4  }
0x4: {  	s3 =	rddreg [dreg:$0x0]  }
0x5: {  	s2 =	rddreg [dreg:$0x1]  }
0x6: {  	s1 =	rddreg [dreg:$0x2]  }
0x7: {  	s0 =	rddreg [dreg:$0x3];
	_ =	strace $0x80000047  }
0x8: {  	v0 =	vlaneseq.u32;
	s4 =	sadd.s32 $0xA00, s3;
	s3 =	simm.s32 $0x0  }
0x9: {  	s26 =	simm.s32 $0x1;
	s5 =	simm.s32 $0x3;
	s29 =	simm.s32 $0x1;
	v0 =	vmul.u32 $0x40, v0;
	v2 =	vmov s3  }
0xa: {  	[tilespmem:s3], [sflag:$0x1] =	stream.linear.gather [hbm4b:s4+s3], $0x440, $0x38;
	v4 =	vmov s5;
	[tilespmem:$0x490] =	vst v63  }
0xb: {  	v8 =	vmov s29;
	_ =	swait.ge [sflag:s26], $0x440;
	v0 =	vadd.s32 $0x40, v0  }
0xc: {  	[sflag:s26] =	ssyncset.done $0x0;
	v1 =	vor.u32 s3, v0  }
0xd: {  	s28 =	simm.s32 $0x2;
	v3 =	vor.u32 s5, v0;
	[sflag:s26] =	ssyncadd.s32 $0xFFFFFBC0  }
0xe: {  	s30 =	simm.s32 $0x4;
	v5 =	vor.u32 s28, v0;
	v10 =	vld.idx.msk [tilespmem:v2+s3+$0x0], $0xffff  }
0xf: {  	v11 =	vmov s30;
	v17 =	vld.idx.msk [tilespmem:v4+s3+$0x0], $0xffff  }
0x10: {  	v2 =	vor.u32 s29, v0;
	v12 =	vld.idx.msk [tilespmem:v8+s3+$0x0], $0xffff  }
0x11: {  	v6 =	vld.idx.msk [tilespmem:v1+s3+$0x0], $0xffff;
	v1 =	vmov s28  }
0x12: {  	s31 =	simm.s32 $0x7;
	v13 =	vld.idx.msk [tilespmem:v3+s3+$0x0], $0xffff;
	v3 =	vor.u32 s30, v0  }
0x13: {  	v14 =	vor.u32 s31, v0;
	v4 =	vld.idx.msk [tilespmem:v5+s3+$0x0], $0xffff  }
0x14: {  	s6 =	simm.s32 $0x6;
	v15 =	vmov s31;
	v11 =	vld.idx.msk [tilespmem:v11+s3+$0x0], $0xffff  }
0x15: {  	s5 =	simm.s32 $0x5;
	v16 =	vor.u32 s6, v0;
	v7 =	vld.idx.msk [tilespmem:v2+s3+$0x0], $0xffff  }
0x16: {  	v18 =	vmov s6;
	v19 =	vor.u32 s5, v0;
	v8 =	vimm.f32 $0.0e+00;
	v1 =	vld.idx.msk [tilespmem:v1+s3+$0x0], $0xffff  }
0x17: {  	s4 =	simm.s32 $0x8;
	v5 =	vimm.f32 $0.0e+00;
	v2 =	vimm.f32 $0.0e+00;
	v9 =	vld.idx.msk [tilespmem:v3+s3+$0x0], $0xffff;
	v3 =	vimm.f32 $0.0e+00  }
.LBB2_2:
0x18: {  	p1 =	sne.s32 s4, $0x3C;
	v20 =	vmov s5;
	v21 =	vld.idx.msk [tilespmem:v14+s3+$0x0], $0xffff;
	v22 =	vmov v4  }
0x19: {  	v23 =	vor.u32 s4, v0;
	v24 =	vld.idx.msk [tilespmem:v15+s3+$0x0], $0xffff  }
0x1a: {  	v25 =	vmov s4;
	s5 =	sadd.s32 $0x3, s4;
	v26 =	vsub.f32 v17, v13;
	v4 =	vld.idx.msk [tilespmem:v16+s3+$0x0], $0xffff;
	v16 =	vsub.f32 v10, v6  }
.Ltmp1:
0x1b: {  	v14 =	vor.u32 s5, v0;
	v17 =	vsub.f32 v1, v22;
	v27 =	vsub.f32 v12, v7;
	v1 =	vld.idx.msk [tilespmem:v18+s3+$0x0], $0xffff;
	(pc) =	sbr.rel @p1 .LBB2_2-.Ltmp1, $4  }
0x1c: {  	s6 =	sadd.s32 $0x2, s4;
	v15 =	vmov s5;
	v22 =	vmul.f32 v26, v26;
	v6 =	vmovc v9;
	v7 =	vld.idx.msk [tilespmem:v19+s3+$0x0], $0xffff;
	v19 =	vmul.f32 v16, v16  }
0x1d: {  	v26 =	vmul.f32 v17, v17;
	v16 =	vor.u32 s6, v0;
	v10 =	vmovc v11;
	v12 =	vld.idx.msk [tilespmem:v20+s3+$0x0], $0xffff;
	v20 =	vmul.f32 v27, v27  }
0x1e: {  	s5 =	sadd.s32 $0x1, s4;
	v18 =	vmov s6;
	v8 =	vadd.f32 v22, v8;
	v13 =	vmovc v21;
	v9 =	vld.idx.msk [tilespmem:v23+s3+$0x0], $0xffff;
	v2 =	vadd.f32 v19, v2  }
0x1f: {  	s4 =	sadd.s32 $0x4, s4;
	v3 =	vadd.f32 v26, v3;
	v19 =	vor.u32 s5, v0;
	v17 =	vmovc v24;
	v11 =	vld.idx.msk [tilespmem:v25+s3+$0x0], $0xffff;
	v5 =	vadd.f32 v20, v5  }
0x20: {  	_ =	sdelay $0x3  }
0x21: {  	v0 =	vmov s5;
	v14 =	vld.idx.msk [tilespmem:v14+s3+$0x0], $0xffff  }
0x22: {  	v15 =	vld.idx.msk [tilespmem:v15+s3+$0x0], $0xffff  }
0x23: {  	v16 =	vld.idx.msk [tilespmem:v16+s3+$0x0], $0xffff  }
0x24: {  	v18 =	vld.idx.msk [tilespmem:v18+s3+$0x0], $0xffff  }
0x25: {  	v6 =	vsub.f32 v10, v6;
	v41 =	vsub.f32 v17, v13;
	v42 =	vld.idx.msk [tilespmem:v19+s3+$0x0], $0xffff  }
0x26: {  	v0 =	vld.idx.msk [tilespmem:v0+s3+$0x0], $0xffff  }
0x27: {  	v6 =	vmul.f32 v6, v6;
	v10 =	vmul.f32 v41, v41  }
0x28: {  	v1 =	vsub.f32 v1, v4;
	v7 =	vsub.f32 v12, v7  }
0x29: {  	v2 =	vadd.f32 v6, v2;
	v43 =	vadd.f32 v10, v8  }
0x2a: {  	v1 =	vmul.f32 v1, v1;
	v45 =	vsub.f32 v11, v9;
	v46 =	vsub.f32 v15, v14  }
0x2b: {  	v44 =	vmul.f32 v7, v7;
	v47 =	vsub.f32 v18, v16;
	v0 =	vsub.f32 v0, v42  }
0x2c: {  	v1 =	vadd.f32 v1, v3;
	v48 =	vmul.f32 v45, v45;
	v49 =	vmul.f32 v46, v46  }
0x2d: {  	v5 =	vadd.f32 v44, v5;
	v50 =	vmul.f32 v47, v47;
	v0 =	vmul.f32 v0, v0  }
0x2e: {  	v2 =	vadd.f32 v48, v2;
	v4 =	vadd.f32 v49, v43  }
0x2f: {  	v1 =	vadd.f32 v50, v1;
	v0 =	vadd.f32 v0, v5;
	_ =	sdelay $0x1  }
0x30: {  	v1 =	vadd.f32 v4, v1;
	v0 =	vadd.f32 v0, v2;
	_ =	sdelay $0x1  }
0x31: {  	v0 =	vadd.f32 v1, v0;
	_ =	sdelay $0x1  }
0x32: {  	(xrf0) =	vmin.scan.msk.f32 $0xffff, v0;
	_ =	sdelay $0x5  }
0x33: {  	v51, _, _ =	vpop (xrf0)  }
0x34: {  	v1 =	vbroadcast v51, $0xF;
	_ =	sdelay $0x1  }
0x35: {  	vm0 =	veq.f32 v0, v1  }
0x36: {  	v0 =	vmctz.xlane vm0  }
0x37: {  	v52 =	vlaneseq.u32  }
0x38: {  	v54 =	vor.u32 $0x40, v52;
	v53 =	vshll.u32 v0, $0x6  }
0x39: {  	v55 =	vimm.f32 $0.0e+00;
	vm0 =	veq.s32 v0, v52;
	v3 =	vadd.s32 v54, v53  }
0x3a: {  	v0 =	vsel vm0, $0x3F800000, v55  }
0x3b: {  	s28 =	simm.s32 $0x0;
	s4 =	simm.s32 $0x440;
	[tilespmem:$0x440] =	vst v0  }
0x3c: {  	[hbm4b:s2+s28] =	stream.linear.scatter [tilespmem:s4], [sflag:$0x1], $0x10, $0x38;
	[tilespmem:$0x490] =	vst v63  }
0x3d: {  	v56 =	vld [tilespmem:$0x0]  }
0x3e: {  	v3 =	vld.idx.msk [tilespmem:v3+s28+$0x0], $0xffff;
	_ =	sdelay $0x1  }
0x3f: {  	v57 =	vor.u32 $0x50, v52  }
0x40: {  	v4 =	vadd.s32 v57, v53;
	_ =	sdelay $0x1  }
0x41: {  	v0 =	vsub.f32 v56, v3;
	_ =	sdelay $0x1  }
0x42: {  	v58 =	vld [tilespmem:$0x10];
	[tilespmem:$0x450] =	vst v0  }
0x43: {  	v59 =	vld.idx.msk [tilespmem:v4+s28+$0x0], $0xffff;
	_ =	sdelay $0x1  }
0x44: {  	v60 =	vor.u32 $0x60, v52  }
0x45: {  	v4 =	vadd.s32 v60, v53;
	_ =	sdelay $0x1  }
0x46: {  	v0 =	vsub.f32 v58, v59;
	_ =	sdelay $0x1  }
0x47: {  	v61 =	vld [tilespmem:$0x20];
	[tilespmem:$0x460] =	vst v0  }
0x48: {  	v62 =	vld.idx.msk [tilespmem:v4+s28+$0x0], $0xffff;
	_ =	sdelay $0x1  }
0x49: {  	v1 =	vor.u32 $0x70, v52  }
0x4a: {  	v1 =	vadd.s32 v1, v53;
	_ =	sdelay $0x1  }
0x4b: {  	v0 =	vsub.f32 v61, v62;
	_ =	sdelay $0x1  }
0x4c: {  	v63 =	vld [tilespmem:$0x30];
	[tilespmem:$0x470] =	vst v0  }
0x4d: {  	v1 =	vld.idx.msk [tilespmem:v1+s28+$0x0], $0xffff;
	_ =	sdelay $0x4  }
0x4e: {  	v0 =	vsub.f32 v63, v1;
	_ =	sdelay $0x1  }
0x4f: {  	s29 =	simm.s32 $0x450;
	s30 =	simm.s32 $0x1;
	[tilespmem:$0x480] =	vst v0  }
0x50: {  	[hbm4b:s1+s28] =	stream.linear.scatter [tilespmem:s29], [sflag:$0x2], $0x40, $0x38;
	[tilespmem:$0x490] =	vst v63  }
0x51: {  	_ =	swait.ge [sflag:s30], $0x10  }
0x52: {  	[sflag:s30] =	ssyncset.done $0x0  }
0x53: {  	s31 =	simm.s32 $0x2;
	[sflag:s30] =	ssyncadd.s32 $0xFFFFFFF0  }
0x54: {  	_ =	swait.ge [sflag:s31], $0x40  }
0x55: {  	[sflag:s31] =	ssyncset.done $0x0  }
0x56: {  	[sflag:s31] =	ssyncadd.s32 $0xFFFFFFC0  }
.LBB2_4:
0x57: {  	_ =	sfence.sel $0x180000  }
0x58: {  	[bflag:$0x0] =	sbarrier.arrive $0xFFFF  }
0x59: {  	_ =	strace $0x90000047  }
0x5a: {  	s0 =	sadd.s32 @!p0 $0x100000, s0;
	[bflag:$0x2] =	sbarrier.arrive $0xFFFF  }
0x5b: {  	[sflag:s0] =	ssyncadd.tile.s32 @!p0 $0x1;
	_ =	shalt  }
.Lfunc_end2:
_tile_overlayer_lowered:
.L_overlay_start_2:
0x5c: {  	(tag) =	ssettag $0x2  }
0x5d: {  	s0 =	rddreg [dreg:$0x0];
	s2 =	stileid.u32  }
0x5e: {  	s1 =	rddreg [dreg:$0x1];
	p0 =	sne.s32 s2, $0x0  }
0x5f: {  	s3 =	rddreg [dreg:$0x2];
	[bflag:$0x3] =	sbarrier.arrive $0xFFFF;
	s2 =	simm.s32 @!p0 $0x1C03  }
0x60: {  	[timem:s3], [sflag:s2] =	dma.local @!p0 [hbm:s0], s1  }
0x61: {  	s0 =	simm.s32 @!p0 $0x3  }
0x62: {  	_ =	swait.ge @!p0 [sflag:s0], s1  }
0x63: {  	s1 =	ssub.s32 @!p0 $0x0, s1;
	[sflag:s0] =	ssyncset.done @!p0 $0x0  }
0x64: {  	[sflag:s0] =	ssyncadd.s32 @!p0 s1  }
0x65: {  	[bflag:$0x3] =	sbarrier.arrive $0xFFFF  }
0x66: {  	_ =	shalt  }

</sc_bundles>
